<compile_context>
chip_gen: v7x
topology: tpu7x:2x2x1
jax: 0.10.2.dev20260603
libtpu: 0.0.44.dev20260713+nightly
codegen_flags: <defaults>
</compile_context>

<pallas_src>
import jax
import jax.numpy as jnp
from jax import lax
from jax.experimental import pallas as pl
from jax.experimental.pallas import tpu as pltpu
from jax.experimental.pallas import tpu_sc as plsc

_B = 1024
_D = 6
_F = 2048
_R = 6
_DR = _D * _R
_SPLIT = 18
_NC = 2
_NS = 16
_L = 16
_NFC = _F // _L
_BBLK = 1024


def _sc_table_body(jt_hbm, pe_hbm, tab_hbm, jtv, row):
    c = lax.axis_index("c")
    s = lax.axis_index("s")
    wid = s * _NC + c

    @pl.when(wid < _DR - _SPLIT)
    def _():
        dr = wid + _SPLIT
        r = dr - (dr // _R) * _R
        pltpu.sync_copy(pe_hbm.at[r], row)
        pltpu.sync_copy(jt_hbm.at[dr], jtv)
        jv = jtv[...]

        def add_chunk(fc, carry):
            sl = pl.ds(fc * _L, _L)
            row[sl] = row[sl] + jv
            return carry

        lax.fori_loop(0, _NFC, add_chunk, 0)
        pltpu.sync_copy(row, tab_hbm.at[wid, 0])


def _tc_a_body(jt_ref, pe_ref, src_ref, out_ref):
    g = pl.program_id(0)
    d = g // _R
    r = g - d * _R
    out_ref[...] = src_ref[...] + (jt_ref[d, r] + pe_ref[...])


def _tc_b_body(tab_ref, src_ref, alias_ref, out_ref):
    out_ref[...] = src_ref[...] + tab_ref[...]


def kernel(src, joint_emb, pos_emb):
    st = jnp.transpose(src, (1, 3, 0, 2)).reshape(_DR, _B, _F)
    pt = jnp.transpose(pos_emb, (1, 0))
    pt3 = pt.reshape(_R, 1, _F)
    jp = jnp.tile(joint_emb.reshape(_DR, 1), (1, _L))

    table = pl.kernel(
        _sc_table_body,
        out_type=jax.ShapeDtypeStruct((_DR - _SPLIT, 1, _F), jnp.float32),
        mesh=plsc.VectorSubcoreMesh(core_axis_name="c", subcore_axis_name="s"),
        scratch_types=[
            pltpu.VMEM((_L,), jnp.float32),
            pltpu.VMEM((_F,), jnp.float32),
        ],
        compiler_params=pltpu.CompilerParams(use_tc_tiling_on_sc=True),
    )(jp, pt)

    out_a = pl.pallas_call(
        _tc_a_body,
        grid=(_SPLIT,),
        in_specs=[
            pl.BlockSpec(memory_space=pltpu.SMEM),
            pl.BlockSpec((1, 1, _F), lambda g: (lax.rem(g, _R), 0, 0)),
            pl.BlockSpec((1, _BBLK, _F), lambda g: (g, 0, 0)),
        ],
        out_specs=pl.BlockSpec((1, _BBLK, _F), lambda g: (g, 0, 0)),
        out_shape=jax.ShapeDtypeStruct((_DR, _B, _F), src.dtype),
        compiler_params=pltpu.CompilerParams(
            dimension_semantics=("parallel",),
        ),
    )(joint_emb, pt3, st)

    out_t = pl.pallas_call(
        _tc_b_body,
        grid=(_DR - _SPLIT,),
        in_specs=[
            pl.BlockSpec((1, 1, _F), lambda g: (g, 0, 0)),
            pl.BlockSpec((1, _BBLK, _F), lambda g: (g + _SPLIT, 0, 0)),
            pl.BlockSpec(memory_space=pl.ANY),
        ],
        out_specs=pl.BlockSpec((1, _BBLK, _F), lambda g: (g + _SPLIT, 0, 0)),
        out_shape=jax.ShapeDtypeStruct((_DR, _B, _F), src.dtype),
        input_output_aliases={2: 0},
        compiler_params=pltpu.CompilerParams(
            dimension_semantics=("parallel",),
        ),
    )(table, st, out_a)
    return jnp.transpose(out_t.reshape(_D, _R, _B, _F), (2, 0, 3, 1))

# --- scband reference (transcript-rebuilt; emitter-appended) ---
"""Pipeline reference for scband-imu-embedding-10926396801540 (READ-ONLY COPY).

The authoritative reference and input builder live on the scoring server;
editing this copy changes nothing except your own understanding.
"""

import jax, jax.numpy as jnp
import numpy as np

BATCH = 1024
N_DEVICE = 6
N_FRAMES = 2048
RAW_DIM = 6


def setup_inputs(seed: int = 0) -> dict:
    key = jax.random.key(seed)
    k1, k2, k3 = jax.random.split(key, 3)
    src = jax.random.normal(k1, (BATCH, N_DEVICE, N_FRAMES, RAW_DIM), dtype=jnp.float32)
    joint_emb = jax.random.normal(k2, (6, 6), dtype=jnp.float32) * 0.02
    pos_emb = jax.random.normal(k3, (N_FRAMES, RAW_DIM), dtype=jnp.float32) * 0.02
    return {"src": src, "joint_emb": joint_emb, "pos_emb": pos_emb}


def reference(src, joint_emb, pos_emb):
    # joints embedding: lookup all 6 joint ids and broadcast-add over (batch, length)
    joint_idx = jnp.arange(6)
    je = jnp.take(joint_emb, joint_idx, axis=0)  # [6, 6]
    je = je.reshape(1, 6, 1, -1)                 # [1, 6, 1, 6]
    src = src + je
    # learned ('b') positional embedding: lookup all n_frames positions
    pos_idx = jnp.arange(N_FRAMES)
    pe = jnp.take(pos_emb, pos_idx, axis=0)      # [n_frames, raw_dim]
    pe = pe.reshape(1, N_FRAMES, -1)             # [1, n_frames, raw_dim]
    src = src + pe                               # broadcasts over (batch, n_device)
    return src

if __name__ == "__main__":
    import jax
    _d = setup_inputs()
    print(jax.jit(kernel)(*tuple(_d.values())))

</pallas_src>

<mosaic_0001>
#map = affine_map<(d0, d1) -> (0, 0)>
#map1 = affine_map<(d0, d1) -> (0, 0, 0)>
module attributes {stable_mosaic.version = 14 : i64} {
  func.func @_sc_table_body(%arg0: i32, %arg1: i32, %arg2: memref<36x16xf32, #tpu.memory_space<hbm>>, %arg3: memref<6x2048xf32, #tpu.memory_space<hbm>>, %arg4: memref<18x1x2048xf32, #tpu.memory_space<hbm>>, %arg5: memref<16xf32, #tpu.memory_space<vmem>>, %arg6: memref<2048xf32, #tpu.memory_space<vmem>>) attributes {dimension_semantics = [#tpu.dimension_semantics<core_parallel>, #tpu.dimension_semantics<subcore_parallel>], iteration_bounds = array<i64: 2, 16>, scalar_prefetch = 0 : i64, scratch_operands = 2 : i64, tpu.core_type = #tpu.core_type<sc_vector_subcore>, window_params = [{transform_indices = #map}, {transform_indices = #map}, {transform_indices = #map1}]} {
    %mul3A = arith.constant 2 : i32
    %mul3A_0 = arith.muli %arg1, %mul3A : i32
    %add3A = arith.addi %mul3A_0, %arg0 : i32
    %lt3A = arith.constant 18 : i32
    %lt3A_1 = arith.cmpi slt, %add3A, %lt3A : i32
    %convert_element_type3A = arith.extui %lt3A_1 : i1 to i32
    %cond3A = arith.constant 0 : i32
    %cond3A_2 = arith.cmpi ne, %convert_element_type3A, %cond3A : i32
    scf.if %cond3A_2 {
      %add3A_3 = arith.constant 18 : i32
      %add3A_4 = arith.addi %add3A, %add3A_3 : i32
      %jit3A = arith.constant 6 : i32
      %div3A = arith.divsi %add3A_4, %jit3A : i32
      %sign3A = arith.constant 0 : i32
      %sign3A_5 = arith.cmpi sgt, %add3A_4, %sign3A : i32
      %sign3A_6 = arith.extui %sign3A_5 : i1 to i32
      %sign3A_7 = arith.constant 0 : i32
      %sign3A_8 = arith.cmpi slt, %add3A_4, %sign3A_7 : i32
      %sign3A_9 = arith.extui %sign3A_8 : i1 to i32
      %sign3A_10 = arith.subi %sign3A_6, %sign3A_9 : i32
      %sign3A_11 = arith.constant 0 : i32
      %sign3A_12 = arith.cmpi sgt, %jit3A, %sign3A_11 : i32
      %sign3A_13 = arith.extui %sign3A_12 : i1 to i32
      %sign3A_14 = arith.constant 0 : i32
      %sign3A_15 = arith.cmpi slt, %jit3A, %sign3A_14 : i32
      %sign3A_16 = arith.extui %sign3A_15 : i1 to i32
      %sign3A_17 = arith.subi %sign3A_13, %sign3A_16 : i32
      %ne3A = arith.cmpi ne, %sign3A_10, %sign3A_17 : i32
      %rem3A = arith.remsi %add3A_4, %jit3A : i32
      %ne3A_18 = arith.constant 0 : i32
      %ne3A_19 = arith.cmpi ne, %rem3A, %ne3A_18 : i32
      %and3A = arith.andi %ne3A, %ne3A_19 : i1
      %sub3A = arith.constant 1 : i32
      %sub3A_20 = arith.subi %div3A, %sub3A : i32
      %select_n3A = arith.select %and3A, %sub3A_20, %div3A : i32
      %mul3A_21 = arith.constant 6 : i32
      %mul3A_22 = arith.muli %select_n3A, %mul3A_21 : i32
      %sub3A_23 = arith.subi %add3A_4, %mul3A_22 : i32
      "tpu.region"() ({
        %run_scoped3A_31 = tpu.sem_alloc : memref<!tpu.dma_semaphore, #tpu.memory_space<semaphore_mem>>
        %dma_start3A = arith.constant 0 : i32
        %dma_start3A_32 = tpu.memref_slice %arg3[%sub3A_23, %dma_start3A] : memref<6x2048xf32, #tpu.memory_space<hbm>> -> memref<1x2048xf32, #tpu.memory_space<hbm>>
        %dma_start3A_33 = tpu.memref_squeeze %dma_start3A_32 : memref<1x2048xf32, #tpu.memory_space<hbm>> -> memref<2048xf32, #tpu.memory_space<hbm>>
        %dma_start3A_34 = arith.constant 0 : i32
        %dma_start3A_35 = tpu.memref_slice %arg3[%sub3A_23, %dma_start3A_34] : memref<6x2048xf32, #tpu.memory_space<hbm>> -> memref<1x2048xf32, #tpu.memory_space<hbm>>
        %dma_start3A_36 = tpu.memref_squeeze %dma_start3A_35 : memref<1x2048xf32, #tpu.memory_space<hbm>> -> memref<2048xf32, #tpu.memory_space<hbm>>
        tpu.enqueue_dma source(%dma_start3A_36 : memref<2048xf32, #tpu.memory_space<hbm>>) target(%arg6 : memref<2048xf32, #tpu.memory_space<vmem>>) target_semaphore(%run_scoped3A_31 : memref<!tpu.dma_semaphore, #tpu.memory_space<semaphore_mem>>)
        %dma_wait3A = arith.constant 0 : i32
        %dma_wait3A_37 = tpu.memref_slice %arg3[%sub3A_23, %dma_wait3A] : memref<6x2048xf32, #tpu.memory_space<hbm>> -> memref<1x2048xf32, #tpu.memory_space<hbm>>
        %dma_wait3A_38 = tpu.memref_squeeze %dma_wait3A_37 : memref<1x2048xf32, #tpu.memory_space<hbm>> -> memref<2048xf32, #tpu.memory_space<hbm>>
        %dma_wait3A_39 = arith.constant 0 : i32
        %dma_wait3A_40 = tpu.memref_slice %arg3[%sub3A_23, %dma_wait3A_39] : memref<6x2048xf32, #tpu.memory_space<hbm>> -> memref<1x2048xf32, #tpu.memory_space<hbm>>
        %dma_wait3A_41 = tpu.memref_squeeze %dma_wait3A_40 : memref<1x2048xf32, #tpu.memory_space<hbm>> -> memref<2048xf32, #tpu.memory_space<hbm>>
        tpu.wait_dma2 semaphore(%run_scoped3A_31 : memref<!tpu.dma_semaphore, #tpu.memory_space<semaphore_mem>>) src(%dma_wait3A_41 : memref<2048xf32, #tpu.memory_space<hbm>>) dst(%arg6 : memref<2048xf32, #tpu.memory_space<vmem>>)
        tpu.yield
      }) : () -> ()
      "tpu.region"() ({
        %run_scoped3A_31 = tpu.sem_alloc : memref<!tpu.dma_semaphore, #tpu.memory_space<semaphore_mem>>
        %dma_start3A = arith.constant 0 : i32
        %dma_start3A_32 = tpu.memref_slice %arg2[%add3A_4, %dma_start3A] : memref<36x16xf32, #tpu.memory_space<hbm>> -> memref<1x16xf32, #tpu.memory_space<hbm>>
        %dma_start3A_33 = tpu.memref_squeeze %dma_start3A_32 : memref<1x16xf32, #tpu.memory_space<hbm>> -> memref<16xf32, #tpu.memory_space<hbm>>
        %dma_start3A_34 = arith.constant 0 : i32
        %dma_start3A_35 = tpu.memref_slice %arg2[%add3A_4, %dma_start3A_34] : memref<36x16xf32, #tpu.memory_space<hbm>> -> memref<1x16xf32, #tpu.memory_space<hbm>>
        %dma_start3A_36 = tpu.memref_squeeze %dma_start3A_35 : memref<1x16xf32, #tpu.memory_space<hbm>> -> memref<16xf32, #tpu.memory_space<hbm>>
        tpu.enqueue_dma source(%dma_start3A_36 : memref<16xf32, #tpu.memory_space<hbm>>) target(%arg5 : memref<16xf32, #tpu.memory_space<vmem>>) target_semaphore(%run_scoped3A_31 : memref<!tpu.dma_semaphore, #tpu.memory_space<semaphore_mem>>)
        %dma_wait3A = arith.constant 0 : i32
        %dma_wait3A_37 = tpu.memref_slice %arg2[%add3A_4, %dma_wait3A] : memref<36x16xf32, #tpu.memory_space<hbm>> -> memref<1x16xf32, #tpu.memory_space<hbm>>
        %dma_wait3A_38 = tpu.memref_squeeze %dma_wait3A_37 : memref<1x16xf32, #tpu.memory_space<hbm>> -> memref<16xf32, #tpu.memory_space<hbm>>
        %dma_wait3A_39 = arith.constant 0 : i32
        %dma_wait3A_40 = tpu.memref_slice %arg2[%add3A_4, %dma_wait3A_39] : memref<36x16xf32, #tpu.memory_space<hbm>> -> memref<1x16xf32, #tpu.memory_space<hbm>>
        %dma_wait3A_41 = tpu.memref_squeeze %dma_wait3A_40 : memref<1x16xf32, #tpu.memory_space<hbm>> -> memref<16xf32, #tpu.memory_space<hbm>>
        tpu.wait_dma2 semaphore(%run_scoped3A_31 : memref<!tpu.dma_semaphore, #tpu.memory_space<semaphore_mem>>) src(%dma_wait3A_41 : memref<16xf32, #tpu.memory_space<hbm>>) dst(%arg5 : memref<16xf32, #tpu.memory_space<vmem>>)
        tpu.yield
      }) : () -> ()
      %get3A = arith.constant 0 : index
      %get3A_24 = tpu.vector_load %arg5[%get3A] {strides = array<i32>} : memref<16xf32, #tpu.memory_space<vmem>>, vector<16xf32>,
      %get3A_25 = vector.shape_cast %get3A_24 : vector<16xf32> to vector<16xf32>
      %scan3A = arith.constant 0 : i32
      %scan3A_26 = arith.constant 0 : i32
      %scan3A_27 = arith.constant 128 : i32
      %scan3A_28 = arith.addi %scan3A_26, %scan3A_27 : i32
      %scan3A_29 = arith.constant 1 : i32
      scf.for %scan3A_31 = %scan3A_26 to %scan3A_28 step %scan3A_29  : i32 {
        %mul3A_32 = arith.constant 16 : i32
        %mul3A_33 = arith.muli %scan3A_31, %mul3A_32 : i32
        %get3A_34 = arith.index_cast %mul3A_33 : i32 to index
        %get3A_35 = tpu.vector_load %arg6[%get3A_34] {strides = array<i32>} : memref<2048xf32, #tpu.memory_space<vmem>>, vector<16xf32>,
        %get3A_36 = vector.shape_cast %get3A_35 : vector<16xf32> to vector<16xf32>
        %add3A_37 = arith.addf %get3A_36, %get3A_25 : vector<16xf32>
        %swap3A = arith.index_cast %mul3A_33 : i32 to index
        %swap3A_38 = tpu.vector_load %arg6[%swap3A] {strides = array<i32>} : memref<2048xf32, #tpu.memory_space<vmem>>, vector<16xf32>,
        %swap3A_39 = vector.shape_cast %swap3A_38 : vector<16xf32> to vector<16xf32>
        %swap3A_40 = vector.shape_cast %add3A_37 : vector<16xf32> to vector<16xf32>
        tpu.vector_store %arg6[%swap3A], %swap3A_40 {strides = array<i32>} : memref<2048xf32, #tpu.memory_space<vmem>>, vector<16xf32>,
      }
      %scan3A_30 = arith.constant 128 : i32
      %run_scoped3A = arith.constant 0 : i32
      "tpu.region"() ({
        %run_scoped3A_31 = tpu.sem_alloc : memref<!tpu.dma_semaphore, #tpu.memory_space<semaphore_mem>>
        %dma_start3A = arith.constant 0 : i32
        %dma_start3A_32 = tpu.memref_slice %arg4[%add3A, %run_scoped3A, %dma_start3A] : memref<18x1x2048xf32, #tpu.memory_space<hbm>> -> memref<1x1x2048xf32, #tpu.memory_space<hbm>>
        %dma_start3A_33 = tpu.memref_squeeze %dma_start3A_32 : memref<1x1x2048xf32, #tpu.memory_space<hbm>> -> memref<2048xf32, #tpu.memory_space<hbm>>
        %dma_start3A_34 = arith.constant 0 : i32
        %dma_start3A_35 = tpu.memref_slice %arg4[%add3A, %run_scoped3A, %dma_start3A_34] : memref<18x1x2048xf32, #tpu.memory_space<hbm>> -> memref<1x1x2048xf32, #tpu.memory_space<hbm>>
        %dma_start3A_36 = tpu.memref_squeeze %dma_start3A_35 : memref<1x1x2048xf32, #tpu.memory_space<hbm>> -> memref<2048xf32, #tpu.memory_space<hbm>>
        tpu.enqueue_dma source(%arg6 : memref<2048xf32, #tpu.memory_space<vmem>>) target(%dma_start3A_36 : memref<2048xf32, #tpu.memory_space<hbm>>) target_semaphore(%run_scoped3A_31 : memref<!tpu.dma_semaphore, #tpu.memory_space<semaphore_mem>>)
        %dma_wait3A = arith.constant 0 : i32
        %dma_wait3A_37 = tpu.memref_slice %arg4[%add3A, %run_scoped3A, %dma_wait3A] : memref<18x1x2048xf32, #tpu.memory_space<hbm>> -> memref<1x1x2048xf32, #tpu.memory_space<hbm>>
        %dma_wait3A_38 = tpu.memref_squeeze %dma_wait3A_37 : memref<1x1x2048xf32, #tpu.memory_space<hbm>> -> memref<2048xf32, #tpu.memory_space<hbm>>
        %dma_wait3A_39 = arith.constant 0 : i32
        %dma_wait3A_40 = tpu.memref_slice %arg4[%add3A, %run_scoped3A, %dma_wait3A_39] : memref<18x1x2048xf32, #tpu.memory_space<hbm>> -> memref<1x1x2048xf32, #tpu.memory_space<hbm>>
        %dma_wait3A_41 = tpu.memref_squeeze %dma_wait3A_40 : memref<1x1x2048xf32, #tpu.memory_space<hbm>> -> memref<2048xf32, #tpu.memory_space<hbm>>
        tpu.wait_dma2 semaphore(%run_scoped3A_31 : memref<!tpu.dma_semaphore, #tpu.memory_space<semaphore_mem>>) src(%arg6 : memref<2048xf32, #tpu.memory_space<vmem>>) dst(%dma_wait3A_41 : memref<2048xf32, #tpu.memory_space<hbm>>)
        tpu.yield
      }) : () -> ()
    } else {
    }
    return
  }
}

module attributes {stable_mosaic.version = 14 : i64} {
  func.func @_tc_a_body(%arg0: i32, %arg1: memref<6x6xf32, #tpu.memory_space<smem>>, %arg2: memref<1x1x2048xf32, #tpu.memory_space<vmem>>, %arg3: memref<1x1024x2048xf32, #tpu.memory_space<vmem>>, %arg4: memref<1x1024x2048xf32, #tpu.memory_space<vmem>>) attributes {dimension_semantics = [#tpu.dimension_semantics<parallel>], iteration_bounds = array<i64: 18>, scalar_prefetch = 0 : i64, scratch_operands = 0 : i64, tpu.core_type = #tpu.core_type<tc>, window_params = [{transform_indices = @transform_0, window_bounds = array<i64: 6, 6>}, {transform_indices = @transform_1, window_bounds = array<i64: 1, 1, 2048>}, {transform_indices = @transform_2, window_bounds = array<i64: 1, 1024, 2048>}, {transform_indices = @transform_3, window_bounds = array<i64: 1, 1024, 2048>}]} {
    %jit3A = arith.constant 6 : i32
    %div3A = arith.divsi %arg0, %jit3A : i32
    %sign3A = arith.constant 0 : i32
    %sign3A_0 = arith.cmpi sgt, %arg0, %sign3A : i32
    %sign3A_1 = arith.extui %sign3A_0 : i1 to i32
    %sign3A_2 = arith.constant 0 : i32
    %sign3A_3 = arith.cmpi slt, %arg0, %sign3A_2 : i32
    %sign3A_4 = arith.extui %sign3A_3 : i1 to i32
    %sign3A_5 = arith.subi %sign3A_1, %sign3A_4 : i32
    %sign3A_6 = arith.constant 0 : i32
    %sign3A_7 = arith.cmpi sgt, %jit3A, %sign3A_6 : i32
    %sign3A_8 = arith.extui %sign3A_7 : i1 to i32
    %sign3A_9 = arith.constant 0 : i32
    %sign3A_10 = arith.cmpi slt, %jit3A, %sign3A_9 : i32
    %sign3A_11 = arith.extui %sign3A_10 : i1 to i32
    %sign3A_12 = arith.subi %sign3A_8, %sign3A_11 : i32
    %ne3A = arith.cmpi ne, %sign3A_5, %sign3A_12 : i32
    %rem3A = arith.remsi %arg0, %jit3A : i32
    %ne3A_13 = arith.constant 0 : i32
    %ne3A_14 = arith.cmpi ne, %rem3A, %ne3A_13 : i32
    %and3A = arith.andi %ne3A, %ne3A_14 : i1
    %sub3A = arith.constant 1 : i32
    %sub3A_15 = arith.subi %div3A, %sub3A : i32
    %select_n3A = arith.select %and3A, %sub3A_15, %div3A : i32
    %mul3A = arith.constant 6 : i32
    %mul3A_16 = arith.muli %select_n3A, %mul3A : i32
    %sub3A_17 = arith.subi %arg0, %mul3A_16 : i32
    %get3A = arith.constant 0 : index
    %get3A_18 = arith.constant 0 : index
    %get3A_19 = arith.constant 0 : index
    %get3A_20 = vector.load %arg3[%get3A, %get3A_18, %get3A_19] : memref<1x1024x2048xf32, #tpu.memory_space<vmem>>, vector<1x1024x2048xf32>
    %get3A_21 = arith.index_cast %select_n3A : i32 to index
    %get3A_22 = arith.index_cast %sub3A_17 : i32 to index
    %get3A_23 = memref.load %arg1[%get3A_21, %get3A_22] : memref<6x6xf32, #tpu.memory_space<smem>>
    %get3A_24 = arith.constant 0 : index
    %get3A_25 = arith.constant 0 : index
    %get3A_26 = arith.constant 0 : index
    %get3A_27 = vector.load %arg2[%get3A_24, %get3A_25, %get3A_26] : memref<1x1x2048xf32, #tpu.memory_space<vmem>>, vector<1x1x2048xf32>
    %add3A = vector.broadcast %get3A_23 : f32 to vector<1x1x2048xf32>
    %add3A_28 = arith.addf %add3A, %get3A_27 : vector<1x1x2048xf32>
    %add3A_29 = vector.broadcast %add3A_28 : vector<1x1x2048xf32> to vector<1x1024x2048xf32>
    %add3A_30 = arith.addf %get3A_20, %add3A_29 : vector<1x1024x2048xf32>
    %swap3A = arith.constant 0 : index
    %swap3A_31 = arith.constant 0 : index
    %swap3A_32 = arith.constant 0 : index
    %swap3A_33 = vector.load %arg4[%swap3A, %swap3A_31, %swap3A_32] : memref<1x1024x2048xf32, #tpu.memory_space<vmem>>, vector<1x1024x2048xf32>
    tpu.vector_store %arg4[%swap3A, %swap3A_31, %swap3A_32], %add3A_30 {strides = array<i32>} : memref<1x1024x2048xf32, #tpu.memory_space<vmem>>, vector<1x1024x2048xf32>,
    return
  }
  func.func @transform_0(%arg0: i32) -> (i32, i32) {
    %c0_i32 = arith.constant 0 : i32
    %c0_i32_0 = arith.constant 0 : i32
    %c0_i32_1 = arith.constant 0 : i32
    return %c0_i32, %c0_i32_0 : i32, i32
  }
  func.func @transform_1(%arg0: i32) -> (i32, i32, i32) {
    %rem3A = arith.constant 6 : i32
    %rem3A_0 = arith.remsi %arg0, %rem3A : i32
    %c0_i32 = arith.constant 0 : i32
    %c0_i32_1 = arith.constant 0 : i32
    %c0_i32_2 = arith.constant 0 : i32
    return %rem3A_0, %c0_i32, %c0_i32_1 : i32, i32, i32
  }
  func.func @transform_2(%arg0: i32) -> (i32, i32, i32) {
    %c0_i32 = arith.constant 0 : i32
    %c0_i32_0 = arith.constant 0 : i32
    %c0_i32_1 = arith.constant 0 : i32
    return %arg0, %c0_i32, %c0_i32_0 : i32, i32, i32
  }
  func.func @transform_3(%arg0: i32) -> (i32, i32, i32) {
    %c0_i32 = arith.constant 0 : i32
    %c0_i32_0 = arith.constant 0 : i32
    %c0_i32_1 = arith.constant 0 : i32
    return %arg0, %c0_i32, %c0_i32_0 : i32, i32, i32
  }
}

module attributes {stable_mosaic.version = 14 : i64} {
  func.func @_tc_b_body(%arg0: i32, %arg1: memref<1x1x2048xf32, #tpu.memory_space<vmem>>, %arg2: memref<1x1024x2048xf32, #tpu.memory_space<vmem>>, %arg3: memref<36x1024x2048xf32, #tpu.memory_space<any>>, %arg4: memref<1x1024x2048xf32, #tpu.memory_space<vmem>>) attributes {dimension_semantics = [#tpu.dimension_semantics<parallel>], iteration_bounds = array<i64: 18>, scalar_prefetch = 0 : i64, scratch_operands = 0 : i64, tpu.core_type = #tpu.core_type<tc>, window_params = [{transform_indices = @transform_0, window_bounds = array<i64: 1, 1, 2048>}, {transform_indices = @transform_1, window_bounds = array<i64: 1, 1024, 2048>}, {}, {transform_indices = @transform_3, window_bounds = array<i64: 1, 1024, 2048>}]} {
    %get3A = arith.constant 0 : index
    %get3A_0 = arith.constant 0 : index
    %get3A_1 = arith.constant 0 : index
    %get3A_2 = vector.load %arg2[%get3A, %get3A_0, %get3A_1] : memref<1x1024x2048xf32, #tpu.memory_space<vmem>>, vector<1x1024x2048xf32>
    %get3A_3 = arith.constant 0 : index
    %get3A_4 = arith.constant 0 : index
    %get3A_5 = arith.constant 0 : index
    %get3A_6 = vector.load %arg1[%get3A_3, %get3A_4, %get3A_5] : memref<1x1x2048xf32, #tpu.memory_space<vmem>>, vector<1x1x2048xf32>
    %add3A = vector.broadcast %get3A_6 : vector<1x1x2048xf32> to vector<1x1024x2048xf32>
    %add3A_7 = arith.addf %get3A_2, %add3A : vector<1x1024x2048xf32>
    %swap3A = arith.constant 0 : index
    %swap3A_8 = arith.constant 0 : index
    %swap3A_9 = arith.constant 0 : index
    %swap3A_10 = vector.load %arg4[%swap3A, %swap3A_8, %swap3A_9] : memref<1x1024x2048xf32, #tpu.memory_space<vmem>>, vector<1x1024x2048xf32>
    tpu.vector_store %arg4[%swap3A, %swap3A_8, %swap3A_9], %add3A_7 {strides = array<i32>} : memref<1x1024x2048xf32, #tpu.memory_space<vmem>>, vector<1x1024x2048xf32>,
    return
  }
  func.func @transform_0(%arg0: i32) -> (i32, i32, i32) {
    %c0_i32 = arith.constant 0 : i32
    %c0_i32_0 = arith.constant 0 : i32
    %c0_i32_1 = arith.constant 0 : i32
    return %arg0, %c0_i32, %c0_i32_0 : i32, i32, i32
  }
  func.func @transform_1(%arg0: i32) -> (i32, i32, i32) {
    %add3A = arith.constant 18 : i32
    %add3A_0 = arith.addi %arg0, %add3A : i32
    %c0_i32 = arith.constant 0 : i32
    %c0_i32_1 = arith.constant 0 : i32
    %c0_i32_2 = arith.constant 0 : i32
    return %add3A_0, %c0_i32, %c0_i32_1 : i32, i32, i32
  }
  func.func @transform_3(%arg0: i32) -> (i32, i32, i32) {
    %add3A = arith.constant 18 : i32
    %add3A_0 = arith.addi %arg0, %add3A : i32
    %c0_i32 = arith.constant 0 : i32
    %c0_i32_1 = arith.constant 0 : i32
    %c0_i32_2 = arith.constant 0 : i32
    return %add3A_0, %c0_i32, %c0_i32_1 : i32, i32, i32
  }
}

</mosaic_0001>

<sc_bundles>
// kernel: kernel.5.cloned.1.call-start
scs
__scs_entry_jumppad:
0x0: {  	(pc) =	sbr.rel $0x88, $3  }
0x1: {  	(tag) =	ssettag $0x0;
	lr =	simm.s32 $0x1  }
0x2: {  	[smem:$0x3F9E] =	sst lr;
	_ =	strace $0xD0000000  }
0x3: {  	_ = 	snop  }
0x4: {  	_ = 	snop  }
0x5: {  	_ = 	snop  }
0x6: {  	_ = 	snop  }
0x7: {  	_ = 	snop  }
__scs_overlays_trampoline_lowered:
0x8: {  	[smem:$0x3FAD] =	sst s0  }
0x9: {  	[smem:$0x3FAE] =	sst s1  }
0xa: {  	[smem:$0x3FAF] =	sst s2  }
0xb: {  	[smem:$0x3FB0] =	sst s3  }
0xc: {  	[smem:$0x3FB1] =	sst s4  }
0xd: {  	[smem:$0x3FB2] =	sst s5  }
0xe: {  	[smem:$0x3FB3] =	sst s6  }
0xf: {  	[smem:$0x3FB4] =	sst s7  }
0x10: {  	[smem:$0x3FB5] =	sst s8  }
0x11: {  	[smem:$0x3FB6] =	sst s9;
	s0 =	simm.s32 @!p0 $0x0  }
0x12: {  	s1 =	sld [smem:$0x3F9C];
	s0 =	simm.s32 @p0 $0x1  }
0x13: {  	[smem:$0x3FB7] =	sst s0;
	s0 =	simm.s32 @!p1 $0x0  }
0x14: {  	s2 =	sld [smem:$0x3F9B];
	s0 =	simm.s32 @p1 $0x1  }
0x15: {  	[smem:$0x3FB8] =	sst s0;
	s0 =	simm.s32 @!p2 $0x0  }
0x16: {  	s3 =	sld [smem:$0x3FDB];
	s0 =	simm.s32 @p2 $0x1  }
0x17: {  	s4 =	simm.s32 $0x1BF5;
	[smem:$0x3FBA] =	sst s0  }
0x18: {  	s0 =	sld [smem:$0x3F9D];
	_ =	swait.ge [sflag:s4], $0x0  }
0x19: {  	s7 =	sld [smem:$0x3F9E]  }
0x1a: {  	s8 =	sadd.s32 $0xFFFFE003, lr  }
0x1b: {  	s9 =	sadd.s32 $0xFFFFFEF7, lr;
	s5 =	simm.s32 $0xFFFFFFFF;
	p2 =	slt.u32 s8, $0xFFFFF086  }
0x1c: {  	p1 =	slt.u32 s9, $0xF7A;
	s5 =	simm.s32 @!p2 $0x0  }
0x1d: {  	s5 =	simm.s32 @p1 $0x1;
	p0 =	seq.s32 s7, s2  }
0x1e: {  	s7 =	smul.u32 @!p0 $0xF7A, s2;
	p2 =	seq.s32 @!p0 s5, $0x0  }
0x1f: {  	s9 =	smul.u32 $0xF7A, s1;
	s8 =	simm.s32 @!p0 $0x1BF5;
	p2 =	por !p2, p0  }
0x20: {  	[sflag:s8] =	ssyncset.s32 @!p0 $0xFFFFF086;
	s6 =	sadd.s32 @!p0 s3, s7;
	s7 =	simm.s32 @!p0 $0x108  }
0x21: {  	s3 =	sadd.s32 s3, s9;
	s6 =	sadd.s32 @!p0 $0x88, s6;
	s7 =	simm.s32 @p2 $0x1082  }
0x22: {  	[simem:s7], [sflag:s8] =	dma.local @!p0 [hbm:s6], $0xF7A  }
0x23: {  	s9 =	sor.u32 $0xD0000000, s2;
	s6 =	simm.s32 $0x108;
	_ =	swait.ge @!p0 [sflag:s8], $0x0  }
0x24: {  	s3 =	sadd.s32 $0x88, s3;
	s6 =	simm.s32 @!p1 $0x1082;
	[sflag:s4] =	ssyncset.s32 $0xFFFFF086  }
0x25: {  	[simem:s6], [sflag:s4] =	dma.local [hbm:s3], $0xF7A  }
0x26: {  	[smem:$0x3F9E] =	sst s1;
	(tag) =	ssettag s2;
	_ =	strace s9  }
0x27: {  	s1 =	sld [smem:$0x3FAE]  }
0x28: {  	s2 =	sld [smem:$0x3FAF]  }
0x29: {  	s4 =	sld [smem:$0x3FB1]  }
0x2a: {  	p0 =	seq.s32 s5, $0x0;
	s5 =	sld [smem:$0x3FB2]  }
0x2b: {  	s6 =	sld [smem:$0x3FB3]  }
0x2c: {  	s7 =	sld [smem:$0x3FB4]  }
0x2d: {  	s3 =	simm.s32 $0x108;
	s8 =	sld [smem:$0x3FB5]  }
0x2e: {  	s3 =	simm.s32 @!p0 $0x1082;
	s9 =	sld [smem:$0x3FB6]  }
0x2f: {  	lr =	sadd.s32 s0, s3;
	s0 =	sld [smem:$0x3FAD]  }
0x30: {  	s3 =	sld [smem:$0x3FB0]  }
0x31: {  	[smem:$0x3FB9] =	sst s10  }
0x32: {  	s10 =	sld [smem:$0x3FB7];
	_ =	sdelay $0x3  }
0x33: {  	p0 =	seq.s32 s10, $0x1;
	s10 =	sld [smem:$0x3FB9];
	_ =	sdelay $0x3  }
0x34: {  	[smem:$0x3FB9] =	sst s10  }
0x35: {  	s10 =	sld [smem:$0x3FB8];
	_ =	sdelay $0x3  }
0x36: {  	p1 =	seq.s32 s10, $0x1;
	s10 =	sld [smem:$0x3FB9];
	_ =	sdelay $0x3  }
0x37: {  	[smem:$0x3FB9] =	sst s10  }
0x38: {  	s10 =	sld [smem:$0x3FBA]  }
0x39: {  	_ = 	snop;
	(pc) =	sbr.ind lr, $3  }
0x3a: {  	_ = 	snop  }
0x3b: {  	_ = 	snop  }
0x3c: {  	p2 =	seq.s32 s10, $0x1;
	s10 =	sld [smem:$0x3FB9]  }
0x3d: {  	_ =	shalt  }
0x3e: {  	_ =	shalt  }
0x3f: {  	_ =	shalt  }
0x40: {  	_ =	shalt  }
0x41: {  	_ =	shalt  }
0x42: {  	_ =	shalt  }
0x43: {  	_ =	shalt  }
0x44: {  	_ =	shalt  }
0x45: {  	_ =	shalt  }
0x46: {  	_ =	shalt  }
0x47: {  	_ =	shalt  }
0x48: {  	_ =	shalt  }
0x49: {  	_ =	shalt  }
0x4a: {  	_ =	shalt  }
0x4b: {  	_ =	shalt  }
0x4c: {  	_ =	shalt  }
0x4d: {  	_ =	shalt  }
0x4e: {  	_ =	shalt  }
0x4f: {  	_ =	shalt  }
0x50: {  	_ =	shalt  }
0x51: {  	_ =	shalt  }
0x52: {  	_ =	shalt  }
0x53: {  	_ =	shalt  }
0x54: {  	_ =	shalt  }
0x55: {  	_ =	shalt  }
0x56: {  	_ =	shalt  }
0x57: {  	_ =	shalt  }
0x58: {  	_ =	shalt  }
0x59: {  	_ =	shalt  }
0x5a: {  	_ =	shalt  }
0x5b: {  	_ =	shalt  }
0x5c: {  	_ =	shalt  }
0x5d: {  	_ =	shalt  }
0x5e: {  	_ =	shalt  }
0x5f: {  	_ =	shalt  }
0x60: {  	_ =	shalt  }
0x61: {  	_ =	shalt  }
0x62: {  	_ =	shalt  }
0x63: {  	_ =	shalt  }
0x64: {  	_ =	shalt  }
0x65: {  	_ =	shalt  }
0x66: {  	_ =	shalt  }
0x67: {  	_ =	shalt  }
0x68: {  	_ =	shalt  }
0x69: {  	_ =	shalt  }
0x6a: {  	_ =	shalt  }
0x6b: {  	_ =	shalt  }
0x6c: {  	_ =	shalt  }
0x6d: {  	_ =	shalt  }
0x6e: {  	_ =	shalt  }
0x6f: {  	_ =	shalt  }
0x70: {  	_ =	shalt  }
0x71: {  	_ =	shalt  }
0x72: {  	_ =	shalt  }
0x73: {  	_ =	shalt  }
0x74: {  	_ =	shalt  }
0x75: {  	_ =	shalt  }
0x76: {  	_ =	shalt  }
0x77: {  	_ =	shalt  }
0x78: {  	_ =	shalt  }
0x79: {  	_ =	shalt  }
0x7a: {  	_ =	shalt  }
0x7b: {  	_ =	shalt  }
0x7c: {  	_ =	shalt  }
0x7d: {  	_ =	shalt  }
0x7e: {  	_ =	shalt  }
0x7f: {  	_ =	shalt  }
0x80: {  	_ =	shalt  }
0x81: {  	_ =	shalt  }
0x82: {  	_ =	shalt  }
0x83: {  	_ =	shalt  }
0x84: {  	_ =	shalt  }
0x85: {  	_ =	shalt  }
0x86: {  	_ =	shalt  }
0x87: {  	_ =	shalt  }
.Lfunc_end0:
.L_simem_size_0:
called_computation_lowered:
.L_overlay_start_0:
0x88: {  	s2 =	sld [smem:$0x3FD9]  }
0x89: {  	s3 =	sld [smem:$0x3FFE];
	_ =	sdelay $0x1  }
0x8a: {  	s1 =	srdreg.scid  }
0x8b: {  	s0 =	sand.u32 $0x1, s1  }
0x8c: {  	s17 =	sshll.u32 s0, $0xA;
	s2 =	sadd.s32 s3, s2  }
0x8d: {  	s2 =	sadd.s32 s2, s17  }
0x8e: {  	[smem:$0x3FC5] =	sst s2  }
0x8f: {  	_ = 	snop  }
0x90: {  	s2 =	sld [smem:$0x3FC7];
	(tm) =	ssettm $0x1  }
0x91: {  	s18 =	sld [smem:$0x3FFB];
	_ =	sdelay $0x3  }
0x92: {  	_ =	strace s18  }
0x93: {  	s3 =	sld [smem:$0x3FFC];
	_ =	sdelay $0x3  }
0x94: {  	_ =	strace s3  }
0x95: {  	s3 =	sld [smem:$0x3FFD];
	_ =	sdelay $0x3  }
0x96: {  	_ =	strace s3  }
0x97: {  	_ =	strace $0x8FFFFFFF  }
0x98: {  	s19 =	sld [smem:$0x3FDB];
	_ =	sdelay $0x1  }
0x99: {  	s4 =	simm.s32 $_scs_section_size  }
0x9a: {  	s5 =	simm.s32 $_size__tile_overlayer_lowered;
	s6 =	simm.s32 $_tile_overlayer_lowered  }
0x9b: {  	s22 =	simm.s32 $0x1BFF;
	s21 =	sshll.u32 s6, $0x1;
	s3 =	sadd.s32 s4, s19  }
0x9c: {  	s7 =	simm.s32 $0x0;
	s20 =	sshll.u32 s5, $0x1;
	s5 =	sadd.s32 s21, s3  }
0x9d: {  	[timem:s7], [sflag:s22] =	dma.local [hbm:s5], s20  }
0x9e: {  	_ =	swait.ge [sflag:s22], s20  }
0x9f: {  	s4 =	ssub.s32 $0x0, s20;
	[sflag:s22] =	ssyncset.done $0x0  }
0xa0: {  	[sflag:s22] =	ssyncadd.s32 s4;
	_ =	sdelay $0x1  }
0xa1: {  	s23 =	simm.s32 $0x1B8B  }
0xa2: {  	_ =	swait.ge [sflag:s23], $0x1  }
0xa3: {  	[sflag:s23] =	ssyncset.done $0x0  }
0xa4: {  	s25 =	simm.s32 $0x1B8E;
	s24 =	sld [smem:$0x3FFE];
	[sflag:s23] =	ssyncadd.s32 $0xFFFFFFFF  }
0xa5: {  	s26 =	simm.s32 $execute0_lowered;
	[smem:$0x3FD2] =	sst s25  }
0xa6: {  	s5 =	sshll.u32 s26, $0x1;
	_ =	strace $0x80000046;
	[dreg:$0x1] =	wrdreg $0xFFFFFFFF  }
0xa7: {  	s28 =	simm.s32 $_size_execute0_lowered;
	s3 =	sadd.s32 s3, s5;
	[dreg:$0x0] =	wrdreg $0x0  }
0xa8: {  	s5 =	sshll.u32 s28, $0x1;
	[dreg:$0x2] =	wrdreg s3  }
0xa9: {  	[dreg:$0x3] =	wrdreg s5  }
0xaa: {  	[dreg:$0x4] =	wrdreg $0xC0  }
0xab: {  	_ =	task [dreg:s7], $0x5FFFF  }
0xac: {  	[dreg:$0x1] =	wrdreg $0xFFFFFFFF  }
0xad: {  	[dreg:$0x0] =	wrdreg $0x60  }
0xae: {  	[dreg:$0x2] =	wrdreg s24  }
0xaf: {  	[dreg:$0x3] =	wrdreg s2  }
0xb0: {  	[dreg:$0x4] =	wrdreg $0x9  }
0xb1: {  	_ =	task.clear_ibuf [dreg:s7], $0x5FFFF;
	_ =	strace $0x90000046  }
0xb2: {  	s29 =	simm.s32 $0x9;
	_ =	strace $0x80000048  }
0xb3: {  	_ =	swait.ge [sflag:s29], $0x1  }
0xb4: {  	[sflag:s29] =	ssyncadd.s32 $0xFFFFFFFF  }
0xb5: {  	_ =	strace $0x90000048  }
0xb6: {  	_ =	sfence  }
0xb7: {  	s30 =	sld [smem:$0x0];
	_ =	sdelay $0x2  }
0xb8: {  	s31 =	sshll.u32 s1, $0xD;
	s1 =	sshrl.u32 s1, $0x2  }
0xb9: {  	s3 =	sand.u32 $0x4000, s31;
	s1 =	sadd.s32 s1, s30  }
0xba: {  	s0 =	sor.u32 s3, s0;
	s1 =	sshll.u32 s1, $0x11  }
0xbb: {  	s0 =	sor.u32 s1, s0  }
0xbc: {  	s0 =	sadd.s32 $0x8F2B, s0  }
0xbd: {  	[sflag:s0] =	ssyncadd.remote.s32 $0x1  }
0xbe: {  	_ =	sfence.sel $0xFFFF  }
0xbf: {  	[dreg:$0x0] =	wrdreg $0xFFFFFFFF;
	(pc) =	sbr.abs _section_cstart, $3  }
0xc0: {  	[dreg:$0x1] =	wrdreg $0xFFFFFFFF  }
0xc1: {  	_ =	task.clear_ibuf [dreg:s7], $0x2FFFF;
	_ =	strace $0x9FFFFFFF  }
0xc2: {  	(tm) =	ssettm $0x7FFFFFFF  }
0xc3: {  	_ =	shalt  }
tec
execute0_lowered:
.L_overlay_start_1:
0x0: {  	(tag) =	ssettag $0x1  }
0x1: {  	s1 =	srdreg.scid;
	s0 =	stileid.u32  }
0x2: {  	s4 =	sand.u32 $0x1, s1;
	s6 =	sshll.u32 s0, $0x1  }
0x3: {  	s6 =	sor.u32 s4, s6  }
0x4: {  	p0 =	sgt.s32 s6, $0x11  }
.Ltmp0:
0x5: {  	_ = 	snop;
	(pc) =	sbr.rel @p0 .LBB2_5-.Ltmp0, $4  }
0x6: {  	s3 =	rddreg [dreg:$0x0]  }
0x7: {  	s5 =	rddreg [dreg:$0x1];
	s2 =	simm.s32 $0x0  }
0x8: {  	[smem:$0x7FF] =	sst s2  }
0x9: {  	s1 =	rddreg [dreg:$0x2];
	_ =	strace $0x80000047  }
0xa: {  	s7 =	sadd.s32 $0x12, s6  }
0xb: {  	s8 =	smulhi.u32 $0xAAAAAAAB, s7  }
0xc: {  	s29 =	sshll.u32 s6, $0x8;
	s10 =	ssub.s32 $0x2, s4  }
0xd: {  	s9 =	sshll.u32 s7, $0x4;
	s6 =	sand.u32 $0x1FFFFF00, s29;
	s8 =	sshrl.u32 s8, $0x2  }
0xe: {  	s30 =	sshrl.u32 s10, $0x1;
	s9 =	sadd.s32 s9, s3;
	s8 =	smul.u32 $0x6, s8  }
0xf: {  	s6 =	sadd.s32 s6, s3;
	s31 =	ssub.s32 s10, s30;
	s10 =	simm.s32 $0x0  }
0x10: {  	s3 =	sadd.s32 $0x800, s9;
	s4 =	sadd.s32 $0xC00, s6;
	s7 =	ssub.s32 s7, s8  }
0x11: {  	s6 =	smax.u32 s31, $0x1;
	s9 =	simm.s32 $0x1;
	s7 =	sshll.u32 s7, $0x4  }
0x12: {  	s8 =	simm.s32 $0x80;
	s5 =	sadd.s32 s5, s7;
	s7 =	simm.s32 $0x400  }
.LBB2_2:
0x13: {  	[tilespmem:s8], [sflag:$0x1] =	stream.strided.gather [hbm4b:s5+s8], $0x800, s7, s8, $0x38;
	[tilespmem:$0x880] =	vst v63  }
0x14: {  	_ =	swait.ge [sflag:s9], $0x800  }
0x15: {  	[sflag:s9] =	ssyncset.done $0x0  }
0x16: {  	s11 =	simm.s32 $0x0;
	[sflag:s9] =	ssyncadd.s32 $0xFFFFF800  }
0x17: {  	[tilespmem:s11], [sflag:$0x1] =	stream.linear.gather [hbm4b:s3+s11], $0x80, $0x38;
	[tilespmem:$0x880] =	vst v63  }
0x18: {  	_ =	swait.ge [sflag:s9], $0x80  }
0x19: {  	[sflag:s9] =	ssyncset.done $0x0  }
0x1a: {  	[sflag:s9] =	ssyncadd.s32 $0xFFFFFF80  }
0x1b: {  	s12 =	simm.s32 $0x40;
	s11 =	simm.s32 $0x0;
	v0 =	vld [tilespmem:$0x0]  }
.LBB2_3:
0x1c: {  	p0 =	sne.s32 s12, $0x1FC0;
	v1 =	vld [tilespmem:s11+$0x80];
	_ =	sdelay $0x2  }
.Ltmp1:
0x1d: {  	(pc) =	sbr.rel @p0 .LBB2_3-.Ltmp1, $3  }
0x1e: {  	_ = 	snop  }
0x1f: {  	v1 =	vadd.f32 v1, v0;
	_ =	sdelay $0x1  }
0x20: {  	[tilespmem:s11+$0x80] =	vst v1;
	s11 =	sshra.s32 s12, $0x2;
	s12 =	sadd.s32 $0x40, s12  }
0x21: {  	v1 =	vld [tilespmem:s11+$0x80];
	_ =	sdelay $0x4  }
0x22: {  	s10 =	sadd.s32 $0x1, s10;
	v0 =	vadd.f32 v1, v0  }
0x23: {  	p0 =	sne.s32 s10, s6  }
.Ltmp2:
0x24: {  	[tilespmem:s11+$0x80] =	vst v0;
	(pc) =	sbr.rel @p0 .LBB2_2-.Ltmp2, $4  }
0x25: {  	[hbm4b:s4+s2] =	stream.linear.scatter [tilespmem:s8], [sflag:$0x1], $0x800, $0x38;
	[tilespmem:$0x880] =	vst v63  }
0x26: {  	_ =	swait.ge [sflag:s9], $0x800  }
0x27: {  	[sflag:s9] =	ssyncset.done $0x0  }
0x28: {  	[sflag:s9] =	ssyncadd.s32 $0xFFFFF800  }
.LBB2_5:
0x29: {  	_ =	sfence.sel $0x180000  }
0x2a: {  	[bflag:$0x0] =	sbarrier.arrive $0xFFFF  }
0x2b: {  	p0 =	sne.s32 s0, $0x0;
	_ =	strace $0x90000047  }
0x2c: {  	s0 =	sadd.s32 @!p0 $0x100000, s1;
	[bflag:$0x2] =	sbarrier.arrive $0xFFFF  }
0x2d: {  	[sflag:s0] =	ssyncadd.tile.s32 @!p0 $0x1;
	_ =	shalt  }
.Lfunc_end2:
_tile_overlayer_lowered:
.L_overlay_start_2:
0x2e: {  	(tag) =	ssettag $0x2  }
0x2f: {  	s0 =	rddreg [dreg:$0x0];
	s2 =	stileid.u32  }
0x30: {  	s1 =	rddreg [dreg:$0x1];
	p0 =	sne.s32 s2, $0x0  }
0x31: {  	s3 =	rddreg [dreg:$0x2];
	[bflag:$0x3] =	sbarrier.arrive $0xFFFF;
	s2 =	simm.s32 @!p0 $0x1C01  }
0x32: {  	[timem:s3], [sflag:s2] =	dma.local @!p0 [hbm:s0], s1  }
0x33: {  	s0 =	simm.s32 @!p0 $0x1  }
0x34: {  	_ =	swait.ge @!p0 [sflag:s0], s1  }
0x35: {  	s1 =	ssub.s32 @!p0 $0x0, s1;
	[sflag:s0] =	ssyncset.done @!p0 $0x0  }
0x36: {  	[sflag:s0] =	ssyncadd.s32 @!p0 s1  }
0x37: {  	[bflag:$0x3] =	sbarrier.arrive $0xFFFF  }
0x38: {  	_ =	shalt  }

</sc_bundles>
